<compile_context>
chip_gen: v7x
topology: tpu7x:2x2x1
jax: 0.10.2.dev20260603
libtpu: 0.0.44.dev20260713+nightly
codegen_flags: <defaults>
</compile_context>

<pallas_src>
import functools

import jax
import jax.numpy as jnp
from jax import lax
from jax.experimental import pallas as pl
from jax.experimental.pallas import tpu as pltpu
from jax.experimental.pallas import tpu_sc as plsc

VOCAB = 1000
EMBED_DIM = 8
B, L = 1024, 20
T = B * L
K16 = 16

NC, NS = 2, 16
NW = NC * NS
ROW_PER_W = T // NW
CHUNK = 128
NCHUNK = ROW_PER_W // CHUNK

LB = 2


def _gather_body(t16_hbm, idx_hbm, emb_hbm, idx_v, buf0, buf1, g0, g1, s0, s1):
    wid = lax.axis_index("s") * NC + lax.axis_index("c")
    base = wid * ROW_PER_W
    pltpu.sync_copy(idx_hbm.at[pl.ds(base, ROW_PER_W)], idx_v)
    bufs, gsems, ssems = (buf0, buf1), (g0, g1), (s0, s1)

    def fire_gather(c):
        return pltpu.async_copy(
            t16_hbm.at[idx_v.at[pl.ds(c * CHUNK, CHUNK)]],
            bufs[c % 2], gsems[c % 2])

    gathers = [None] * NCHUNK
    stores = [None] * NCHUNK
    gathers[0] = fire_gather(0)
    for c in range(NCHUNK):
        gathers[c].wait()
        if c + 1 < NCHUNK:
            if c >= 1:
                stores[c - 1].wait()
            gathers[c + 1] = fire_gather(c + 1)
        stores[c] = pltpu.async_copy(
            bufs[c % 2], emb_hbm.at[pl.ds(base + c * CHUNK, CHUNK)],
            ssems[c % 2])
    stores[NCHUNK - 2].wait()
    stores[NCHUNK - 1].wait()


_gather_rows = functools.partial(
    pl.kernel,
    out_type=jax.ShapeDtypeStruct((T, K16), jnp.float32),
    mesh=plsc.VectorSubcoreMesh(core_axis_name="c", subcore_axis_name="s"),
    scratch_types=[
        pltpu.VMEM((ROW_PER_W,), jnp.int32),
        pltpu.VMEM((CHUNK, K16), jnp.float32),
        pltpu.VMEM((CHUNK, K16), jnp.float32),
        pltpu.SemaphoreType.DMA,
        pltpu.SemaphoreType.DMA,
        pltpu.SemaphoreType.DMA,
        pltpu.SemaphoreType.DMA,
    ],
    compiler_params=pltpu.CompilerParams(use_tc_tiling_on_sc=False),
)(_gather_body)


def _proj_body(w_ref, emb_ref, out_ref):
    for j in range(LB):
        rhs = emb_ref[j].astype(jnp.bfloat16)
        out_ref[j] = lax.dot_general(
            w_ref[...], rhs,
            dimension_numbers=(((1,), (1,)), ((), ())),
            preferred_element_type=jnp.float32,
        )


def _project(w16, emb3):
    return pl.pallas_call(
        _proj_body,
        grid=(L // LB,),
        in_specs=[
            pl.BlockSpec((VOCAB, K16), lambda l: (0, 0)),
            pl.BlockSpec((LB, B, K16), lambda l: (l, 0, 0)),
        ],
        out_specs=pl.BlockSpec((LB, VOCAB, B), lambda l: (l, 0, 0)),
        out_shape=jax.ShapeDtypeStruct((L, VOCAB, B), jnp.float32),
    )(w16, emb3)


def kernel(x, embed_table, W, b):
    f32 = jnp.float32
    table16 = jnp.concatenate(
        [embed_table.astype(f32),
         jnp.ones((VOCAB, 1), f32),
         jnp.zeros((VOCAB, K16 - EMBED_DIM - 1), f32)], axis=1)
    w16 = jnp.concatenate(
        [W.astype(f32), b.astype(f32)[:, None],
         jnp.zeros((VOCAB, K16 - EMBED_DIM - 1), f32)],
        axis=1).astype(jnp.bfloat16)
    idx = x.T.reshape(T).astype(jnp.int32)
    emb = _gather_rows(table16, idx)
    emb3 = emb.reshape(L, B, K16)
    out_t = _project(w16, emb3)
    return jnp.transpose(out_t, (2, 0, 1))

# --- scband reference (transcript-rebuilt; emitter-appended) ---
"""Pipeline reference for scband-dummy-model-76373108457793 (READ-ONLY COPY).

The authoritative reference and input builder live on the scoring server;
editing this copy changes nothing except your own understanding.
"""

import jax, jax.numpy as jnp
import numpy as np

VOCAB = 1000
EMBED_DIM = 8
B, L = 1024, 20

def setup_inputs(seed: int = 0) -> dict:
    key = jax.random.key(seed)
    k1, k2, k3, k4 = jax.random.split(key, 4)
    x = jax.random.randint(k1, (B, L), 0, VOCAB, dtype=jnp.int64 if jax.config.jax_enable_x64 else jnp.int32)
    embed_table = jax.random.normal(k2, (VOCAB, EMBED_DIM), dtype=jnp.float32)
    # torch Linear: weight [out_features, in_features], bias [out_features]
    lim = 1.0 / np.sqrt(EMBED_DIM)
    W = jax.random.uniform(k3, (VOCAB, EMBED_DIM), dtype=jnp.float32, minval=-lim, maxval=lim)
    b = jax.random.uniform(k4, (VOCAB,), dtype=jnp.float32, minval=-lim, maxval=lim)
    return {"x": x, "embed_table": embed_table, "W": W, "b": b}

def reference(x, embed_table, W, b):
    # emb = self.embed(x)  -> gather rows of the embedding table
    emb = jnp.take(embed_table, x, axis=0)            # [B, L, EMBED_DIM]
    # out = self.lin(emb)  -> x @ W.T + b
    out = jnp.einsum('bld,vd->blv', emb, W) + b       # [B, L, VOCAB]
    return out

if __name__ == "__main__":
    import jax
    _d = setup_inputs()
    print(jax.jit(kernel)(*tuple(_d.values())))

</pallas_src>

<mosaic_0001>
#map = affine_map<(d0, d1) -> (0, 0)>
#map1 = affine_map<(d0, d1) -> (0)>
module attributes {stable_mosaic.version = 14 : i64} {
  func.func @_gather_body(%arg0: i32, %arg1: i32, %arg2: memref<1000x16xf32, #tpu.memory_space<hbm>>, %arg3: memref<20480xi32, #tpu.memory_space<hbm>>, %arg4: memref<20480x16xf32, #tpu.memory_space<hbm>>, %arg5: memref<640xi32, #tpu.memory_space<vmem>>, %arg6: memref<128x16xf32, #tpu.memory_space<vmem>>, %arg7: memref<128x16xf32, #tpu.memory_space<vmem>>, %arg8: memref<!tpu.dma_semaphore, #tpu.memory_space<semaphore_mem>>, %arg9: memref<!tpu.dma_semaphore, #tpu.memory_space<semaphore_mem>>, %arg10: memref<!tpu.dma_semaphore, #tpu.memory_space<semaphore_mem>>, %arg11: memref<!tpu.dma_semaphore, #tpu.memory_space<semaphore_mem>>) attributes {dimension_semantics = [#tpu.dimension_semantics<core_parallel>, #tpu.dimension_semantics<subcore_parallel>], iteration_bounds = array<i64: 2, 16>, scalar_prefetch = 0 : i64, scratch_operands = 7 : i64, tpu.core_type = #tpu.core_type<sc_vector_subcore>, window_params = [{transform_indices = #map}, {transform_indices = #map1}, {transform_indices = #map}]} {
    %mul3A = arith.constant 2 : i32
    %mul3A_0 = arith.muli %arg1, %mul3A : i32
    %add3A = arith.addi %mul3A_0, %arg0 : i32
    %mul3A_1 = arith.constant 640 : i32
    %mul3A_2 = arith.muli %add3A, %mul3A_1 : i32
    "tpu.region"() ({
      %run_scoped3A = tpu.sem_alloc : memref<!tpu.dma_semaphore, #tpu.memory_space<semaphore_mem>>
      %dma_start3A_101 = tpu.memref_slice %arg3[%mul3A_2] : memref<20480xi32, #tpu.memory_space<hbm>> -> memref<640xi32, #tpu.memory_space<hbm>>
      %dma_start3A_102 = tpu.memref_slice %arg3[%mul3A_2] : memref<20480xi32, #tpu.memory_space<hbm>> -> memref<640xi32, #tpu.memory_space<hbm>>
      tpu.enqueue_dma source(%dma_start3A_102 : memref<640xi32, #tpu.memory_space<hbm>>) target(%arg5 : memref<640xi32, #tpu.memory_space<vmem>>) target_semaphore(%run_scoped3A : memref<!tpu.dma_semaphore, #tpu.memory_space<semaphore_mem>>)
      %dma_wait3A_103 = tpu.memref_slice %arg3[%mul3A_2] : memref<20480xi32, #tpu.memory_space<hbm>> -> memref<640xi32, #tpu.memory_space<hbm>>
      %dma_wait3A_104 = tpu.memref_slice %arg3[%mul3A_2] : memref<20480xi32, #tpu.memory_space<hbm>> -> memref<640xi32, #tpu.memory_space<hbm>>
      tpu.wait_dma2 semaphore(%run_scoped3A : memref<!tpu.dma_semaphore, #tpu.memory_space<semaphore_mem>>) src(%dma_wait3A_104 : memref<640xi32, #tpu.memory_space<hbm>>) dst(%arg5 : memref<640xi32, #tpu.memory_space<vmem>>)
      tpu.yield
    }) : () -> ()
    %dma_start3A = arith.constant 0 : i32
    %dma_start3A_3 = tpu.memref_slice %arg5[%dma_start3A] : memref<640xi32, #tpu.memory_space<vmem>> -> memref<128xi32, #tpu.memory_space<vmem>>
    %dma_start3A_4 = arith.constant 0 : i32
    %dma_start3A_5 = arith.constant 0 : i32
    %dma_start3A_6 = tpu.memref_slice %arg2[%dma_start3A_4, %dma_start3A_5] : memref<1000x16xf32, #tpu.memory_space<hbm>> -> memref<1000x16xf32, #tpu.memory_space<hbm>>
    tpu.enqueue_indirect_dma source(%dma_start3A_6 : memref<1000x16xf32, #tpu.memory_space<hbm>>) target(%arg6 : memref<128x16xf32, #tpu.memory_space<vmem>>) offsets(%dma_start3A_3 : memref<128xi32, #tpu.memory_space<vmem>>) semaphore(%arg8 : memref<!tpu.dma_semaphore, #tpu.memory_space<semaphore_mem>>)
    %dma_wait3A = arith.constant 0 : i32
    %dma_wait3A_7 = tpu.memref_slice %arg5[%dma_wait3A] : memref<640xi32, #tpu.memory_space<vmem>> -> memref<128xi32, #tpu.memory_space<vmem>>
    %dma_wait3A_8 = arith.constant 0 : i32
    %dma_wait3A_9 = arith.constant 0 : i32
    %dma_wait3A_10 = tpu.memref_slice %arg2[%dma_wait3A_8, %dma_wait3A_9] : memref<1000x16xf32, #tpu.memory_space<hbm>> -> memref<1000x16xf32, #tpu.memory_space<hbm>>
    tpu.wait_indirect_dma semaphore(%arg8 : memref<!tpu.dma_semaphore, #tpu.memory_space<semaphore_mem>>) src(%dma_wait3A_10 : memref<1000x16xf32, #tpu.memory_space<hbm>>) dst(%arg6 : memref<128x16xf32, #tpu.memory_space<vmem>>)
    %dma_start3A_11 = arith.constant 128 : i32
    %dma_start3A_12 = tpu.memref_slice %arg5[%dma_start3A_11] : memref<640xi32, #tpu.memory_space<vmem>> -> memref<128xi32, #tpu.memory_space<vmem>>
    %dma_start3A_13 = arith.constant 0 : i32
    %dma_start3A_14 = arith.constant 0 : i32
    %dma_start3A_15 = tpu.memref_slice %arg2[%dma_start3A_13, %dma_start3A_14] : memref<1000x16xf32, #tpu.memory_space<hbm>> -> memref<1000x16xf32, #tpu.memory_space<hbm>>
    tpu.enqueue_indirect_dma source(%dma_start3A_15 : memref<1000x16xf32, #tpu.memory_space<hbm>>) target(%arg7 : memref<128x16xf32, #tpu.memory_space<vmem>>) offsets(%dma_start3A_12 : memref<128xi32, #tpu.memory_space<vmem>>) semaphore(%arg9 : memref<!tpu.dma_semaphore, #tpu.memory_space<semaphore_mem>>)
    %add3A_16 = arith.constant 0 : i32
    %add3A_17 = arith.addi %mul3A_2, %add3A_16 : i32
    %dma_start3A_18 = arith.constant 0 : i32
    %dma_start3A_19 = tpu.memref_slice %arg4[%add3A_17, %dma_start3A_18] : memref<20480x16xf32, #tpu.memory_space<hbm>> -> memref<128x16xf32, #tpu.memory_space<hbm>>
    %dma_start3A_20 = arith.constant 0 : i32
    %dma_start3A_21 = tpu.memref_slice %arg4[%add3A_17, %dma_start3A_20] : memref<20480x16xf32, #tpu.memory_space<hbm>> -> memref<128x16xf32, #tpu.memory_space<hbm>>
    tpu.enqueue_dma source(%arg6 : memref<128x16xf32, #tpu.memory_space<vmem>>) target(%dma_start3A_21 : memref<128x16xf32, #tpu.memory_space<hbm>>) target_semaphore(%arg10 : memref<!tpu.dma_semaphore, #tpu.memory_space<semaphore_mem>>)
    %dma_wait3A_22 = arith.constant 128 : i32
    %dma_wait3A_23 = tpu.memref_slice %arg5[%dma_wait3A_22] : memref<640xi32, #tpu.memory_space<vmem>> -> memref<128xi32, #tpu.memory_space<vmem>>
    %dma_wait3A_24 = arith.constant 0 : i32
    %dma_wait3A_25 = arith.constant 0 : i32
    %dma_wait3A_26 = tpu.memref_slice %arg2[%dma_wait3A_24, %dma_wait3A_25] : memref<1000x16xf32, #tpu.memory_space<hbm>> -> memref<1000x16xf32, #tpu.memory_space<hbm>>
    tpu.wait_indirect_dma semaphore(%arg9 : memref<!tpu.dma_semaphore, #tpu.memory_space<semaphore_mem>>) src(%dma_wait3A_26 : memref<1000x16xf32, #tpu.memory_space<hbm>>) dst(%arg7 : memref<128x16xf32, #tpu.memory_space<vmem>>)
    %dma_wait3A_27 = arith.constant 0 : i32
    %dma_wait3A_28 = tpu.memref_slice %arg4[%add3A_17, %dma_wait3A_27] : memref<20480x16xf32, #tpu.memory_space<hbm>> -> memref<128x16xf32, #tpu.memory_space<hbm>>
    %dma_wait3A_29 = arith.constant 0 : i32
    %dma_wait3A_30 = tpu.memref_slice %arg4[%add3A_17, %dma_wait3A_29] : memref<20480x16xf32, #tpu.memory_space<hbm>> -> memref<128x16xf32, #tpu.memory_space<hbm>>
    tpu.wait_dma2 semaphore(%arg10 : memref<!tpu.dma_semaphore, #tpu.memory_space<semaphore_mem>>) src(%arg6 : memref<128x16xf32, #tpu.memory_space<vmem>>) dst(%dma_wait3A_30 : memref<128x16xf32, #tpu.memory_space<hbm>>)
    %dma_start3A_31 = arith.constant 256 : i32
    %dma_start3A_32 = tpu.memref_slice %arg5[%dma_start3A_31] : memref<640xi32, #tpu.memory_space<vmem>> -> memref<128xi32, #tpu.memory_space<vmem>>
    %dma_start3A_33 = arith.constant 0 : i32
    %dma_start3A_34 = arith.constant 0 : i32
    %dma_start3A_35 = tpu.memref_slice %arg2[%dma_start3A_33, %dma_start3A_34] : memref<1000x16xf32, #tpu.memory_space<hbm>> -> memref<1000x16xf32, #tpu.memory_space<hbm>>
    tpu.enqueue_indirect_dma source(%dma_start3A_35 : memref<1000x16xf32, #tpu.memory_space<hbm>>) target(%arg6 : memref<128x16xf32, #tpu.memory_space<vmem>>) offsets(%dma_start3A_32 : memref<128xi32, #tpu.memory_space<vmem>>) semaphore(%arg8 : memref<!tpu.dma_semaphore, #tpu.memory_space<semaphore_mem>>)
    %add3A_36 = arith.constant 128 : i32
    %add3A_37 = arith.addi %mul3A_2, %add3A_36 : i32
    %dma_start3A_38 = arith.constant 0 : i32
    %dma_start3A_39 = tpu.memref_slice %arg4[%add3A_37, %dma_start3A_38] : memref<20480x16xf32, #tpu.memory_space<hbm>> -> memref<128x16xf32, #tpu.memory_space<hbm>>
    %dma_start3A_40 = arith.constant 0 : i32
    %dma_start3A_41 = tpu.memref_slice %arg4[%add3A_37, %dma_start3A_40] : memref<20480x16xf32, #tpu.memory_space<hbm>> -> memref<128x16xf32, #tpu.memory_space<hbm>>
    tpu.enqueue_dma source(%arg7 : memref<128x16xf32, #tpu.memory_space<vmem>>) target(%dma_start3A_41 : memref<128x16xf32, #tpu.memory_space<hbm>>) target_semaphore(%arg11 : memref<!tpu.dma_semaphore, #tpu.memory_space<semaphore_mem>>)
    %dma_wait3A_42 = arith.constant 256 : i32
    %dma_wait3A_43 = tpu.memref_slice %arg5[%dma_wait3A_42] : memref<640xi32, #tpu.memory_space<vmem>> -> memref<128xi32, #tpu.memory_space<vmem>>
    %dma_wait3A_44 = arith.constant 0 : i32
    %dma_wait3A_45 = arith.constant 0 : i32
    %dma_wait3A_46 = tpu.memref_slice %arg2[%dma_wait3A_44, %dma_wait3A_45] : memref<1000x16xf32, #tpu.memory_space<hbm>> -> memref<1000x16xf32, #tpu.memory_space<hbm>>
    tpu.wait_indirect_dma semaphore(%arg8 : memref<!tpu.dma_semaphore, #tpu.memory_space<semaphore_mem>>) src(%dma_wait3A_46 : memref<1000x16xf32, #tpu.memory_space<hbm>>) dst(%arg6 : memref<128x16xf32, #tpu.memory_space<vmem>>)
    %dma_wait3A_47 = arith.constant 0 : i32
    %dma_wait3A_48 = tpu.memref_slice %arg4[%add3A_37, %dma_wait3A_47] : memref<20480x16xf32, #tpu.memory_space<hbm>> -> memref<128x16xf32, #tpu.memory_space<hbm>>
    %dma_wait3A_49 = arith.constant 0 : i32
    %dma_wait3A_50 = tpu.memref_slice %arg4[%add3A_37, %dma_wait3A_49] : memref<20480x16xf32, #tpu.memory_space<hbm>> -> memref<128x16xf32, #tpu.memory_space<hbm>>
    tpu.wait_dma2 semaphore(%arg11 : memref<!tpu.dma_semaphore, #tpu.memory_space<semaphore_mem>>) src(%arg7 : memref<128x16xf32, #tpu.memory_space<vmem>>) dst(%dma_wait3A_50 : memref<128x16xf32, #tpu.memory_space<hbm>>)
    %dma_start3A_51 = arith.constant 384 : i32
    %dma_start3A_52 = tpu.memref_slice %arg5[%dma_start3A_51] : memref<640xi32, #tpu.memory_space<vmem>> -> memref<128xi32, #tpu.memory_space<vmem>>
    %dma_start3A_53 = arith.constant 0 : i32
    %dma_start3A_54 = arith.constant 0 : i32
    %dma_start3A_55 = tpu.memref_slice %arg2[%dma_start3A_53, %dma_start3A_54] : memref<1000x16xf32, #tpu.memory_space<hbm>> -> memref<1000x16xf32, #tpu.memory_space<hbm>>
    tpu.enqueue_indirect_dma source(%dma_start3A_55 : memref<1000x16xf32, #tpu.memory_space<hbm>>) target(%arg7 : memref<128x16xf32, #tpu.memory_space<vmem>>) offsets(%dma_start3A_52 : memref<128xi32, #tpu.memory_space<vmem>>) semaphore(%arg9 : memref<!tpu.dma_semaphore, #tpu.memory_space<semaphore_mem>>)
    %add3A_56 = arith.constant 256 : i32
    %add3A_57 = arith.addi %mul3A_2, %add3A_56 : i32
    %dma_start3A_58 = arith.constant 0 : i32
    %dma_start3A_59 = tpu.memref_slice %arg4[%add3A_57, %dma_start3A_58] : memref<20480x16xf32, #tpu.memory_space<hbm>> -> memref<128x16xf32, #tpu.memory_space<hbm>>
    %dma_start3A_60 = arith.constant 0 : i32
    %dma_start3A_61 = tpu.memref_slice %arg4[%add3A_57, %dma_start3A_60] : memref<20480x16xf32, #tpu.memory_space<hbm>> -> memref<128x16xf32, #tpu.memory_space<hbm>>
    tpu.enqueue_dma source(%arg6 : memref<128x16xf32, #tpu.memory_space<vmem>>) target(%dma_start3A_61 : memref<128x16xf32, #tpu.memory_space<hbm>>) target_semaphore(%arg10 : memref<!tpu.dma_semaphore, #tpu.memory_space<semaphore_mem>>)
    %dma_wait3A_62 = arith.constant 384 : i32
    %dma_wait3A_63 = tpu.memref_slice %arg5[%dma_wait3A_62] : memref<640xi32, #tpu.memory_space<vmem>> -> memref<128xi32, #tpu.memory_space<vmem>>
    %dma_wait3A_64 = arith.constant 0 : i32
    %dma_wait3A_65 = arith.constant 0 : i32
    %dma_wait3A_66 = tpu.memref_slice %arg2[%dma_wait3A_64, %dma_wait3A_65] : memref<1000x16xf32, #tpu.memory_space<hbm>> -> memref<1000x16xf32, #tpu.memory_space<hbm>>
    tpu.wait_indirect_dma semaphore(%arg9 : memref<!tpu.dma_semaphore, #tpu.memory_space<semaphore_mem>>) src(%dma_wait3A_66 : memref<1000x16xf32, #tpu.memory_space<hbm>>) dst(%arg7 : memref<128x16xf32, #tpu.memory_space<vmem>>)
    %dma_wait3A_67 = arith.constant 0 : i32
    %dma_wait3A_68 = tpu.memref_slice %arg4[%add3A_57, %dma_wait3A_67] : memref<20480x16xf32, #tpu.memory_space<hbm>> -> memref<128x16xf32, #tpu.memory_space<hbm>>
    %dma_wait3A_69 = arith.constant 0 : i32
    %dma_wait3A_70 = tpu.memref_slice %arg4[%add3A_57, %dma_wait3A_69] : memref<20480x16xf32, #tpu.memory_space<hbm>> -> memref<128x16xf32, #tpu.memory_space<hbm>>
    tpu.wait_dma2 semaphore(%arg10 : memref<!tpu.dma_semaphore, #tpu.memory_space<semaphore_mem>>) src(%arg6 : memref<128x16xf32, #tpu.memory_space<vmem>>) dst(%dma_wait3A_70 : memref<128x16xf32, #tpu.memory_space<hbm>>)
    %dma_start3A_71 = arith.constant 512 : i32
    %dma_start3A_72 = tpu.memref_slice %arg5[%dma_start3A_71] : memref<640xi32, #tpu.memory_space<vmem>> -> memref<128xi32, #tpu.memory_space<vmem>>
    %dma_start3A_73 = arith.constant 0 : i32
    %dma_start3A_74 = arith.constant 0 : i32
    %dma_start3A_75 = tpu.memref_slice %arg2[%dma_start3A_73, %dma_start3A_74] : memref<1000x16xf32, #tpu.memory_space<hbm>> -> memref<1000x16xf32, #tpu.memory_space<hbm>>
    tpu.enqueue_indirect_dma source(%dma_start3A_75 : memref<1000x16xf32, #tpu.memory_space<hbm>>) target(%arg6 : memref<128x16xf32, #tpu.memory_space<vmem>>) offsets(%dma_start3A_72 : memref<128xi32, #tpu.memory_space<vmem>>) semaphore(%arg8 : memref<!tpu.dma_semaphore, #tpu.memory_space<semaphore_mem>>)
    %add3A_76 = arith.constant 384 : i32
    %add3A_77 = arith.addi %mul3A_2, %add3A_76 : i32
    %dma_start3A_78 = arith.constant 0 : i32
    %dma_start3A_79 = tpu.memref_slice %arg4[%add3A_77, %dma_start3A_78] : memref<20480x16xf32, #tpu.memory_space<hbm>> -> memref<128x16xf32, #tpu.memory_space<hbm>>
    %dma_start3A_80 = arith.constant 0 : i32
    %dma_start3A_81 = tpu.memref_slice %arg4[%add3A_77, %dma_start3A_80] : memref<20480x16xf32, #tpu.memory_space<hbm>> -> memref<128x16xf32, #tpu.memory_space<hbm>>
    tpu.enqueue_dma source(%arg7 : memref<128x16xf32, #tpu.memory_space<vmem>>) target(%dma_start3A_81 : memref<128x16xf32, #tpu.memory_space<hbm>>) target_semaphore(%arg11 : memref<!tpu.dma_semaphore, #tpu.memory_space<semaphore_mem>>)
    %dma_wait3A_82 = arith.constant 512 : i32
    %dma_wait3A_83 = tpu.memref_slice %arg5[%dma_wait3A_82] : memref<640xi32, #tpu.memory_space<vmem>> -> memref<128xi32, #tpu.memory_space<vmem>>
    %dma_wait3A_84 = arith.constant 0 : i32
    %dma_wait3A_85 = arith.constant 0 : i32
    %dma_wait3A_86 = tpu.memref_slice %arg2[%dma_wait3A_84, %dma_wait3A_85] : memref<1000x16xf32, #tpu.memory_space<hbm>> -> memref<1000x16xf32, #tpu.memory_space<hbm>>
    tpu.wait_indirect_dma semaphore(%arg8 : memref<!tpu.dma_semaphore, #tpu.memory_space<semaphore_mem>>) src(%dma_wait3A_86 : memref<1000x16xf32, #tpu.memory_space<hbm>>) dst(%arg6 : memref<128x16xf32, #tpu.memory_space<vmem>>)
    %add3A_87 = arith.constant 512 : i32
    %add3A_88 = arith.addi %mul3A_2, %add3A_87 : i32
    %dma_start3A_89 = arith.constant 0 : i32
    %dma_start3A_90 = tpu.memref_slice %arg4[%add3A_88, %dma_start3A_89] : memref<20480x16xf32, #tpu.memory_space<hbm>> -> memref<128x16xf32, #tpu.memory_space<hbm>>
    %dma_start3A_91 = arith.constant 0 : i32
    %dma_start3A_92 = tpu.memref_slice %arg4[%add3A_88, %dma_start3A_91] : memref<20480x16xf32, #tpu.memory_space<hbm>> -> memref<128x16xf32, #tpu.memory_space<hbm>>
    tpu.enqueue_dma source(%arg6 : memref<128x16xf32, #tpu.memory_space<vmem>>) target(%dma_start3A_92 : memref<128x16xf32, #tpu.memory_space<hbm>>) target_semaphore(%arg10 : memref<!tpu.dma_semaphore, #tpu.memory_space<semaphore_mem>>)
    %dma_wait3A_93 = arith.constant 0 : i32
    %dma_wait3A_94 = tpu.memref_slice %arg4[%add3A_77, %dma_wait3A_93] : memref<20480x16xf32, #tpu.memory_space<hbm>> -> memref<128x16xf32, #tpu.memory_space<hbm>>
    %dma_wait3A_95 = arith.constant 0 : i32
    %dma_wait3A_96 = tpu.memref_slice %arg4[%add3A_77, %dma_wait3A_95] : memref<20480x16xf32, #tpu.memory_space<hbm>> -> memref<128x16xf32, #tpu.memory_space<hbm>>
    tpu.wait_dma2 semaphore(%arg11 : memref<!tpu.dma_semaphore, #tpu.memory_space<semaphore_mem>>) src(%arg7 : memref<128x16xf32, #tpu.memory_space<vmem>>) dst(%dma_wait3A_96 : memref<128x16xf32, #tpu.memory_space<hbm>>)
    %dma_wait3A_97 = arith.constant 0 : i32
    %dma_wait3A_98 = tpu.memref_slice %arg4[%add3A_88, %dma_wait3A_97] : memref<20480x16xf32, #tpu.memory_space<hbm>> -> memref<128x16xf32, #tpu.memory_space<hbm>>
    %dma_wait3A_99 = arith.constant 0 : i32
    %dma_wait3A_100 = tpu.memref_slice %arg4[%add3A_88, %dma_wait3A_99] : memref<20480x16xf32, #tpu.memory_space<hbm>> -> memref<128x16xf32, #tpu.memory_space<hbm>>
    tpu.wait_dma2 semaphore(%arg10 : memref<!tpu.dma_semaphore, #tpu.memory_space<semaphore_mem>>) src(%arg6 : memref<128x16xf32, #tpu.memory_space<vmem>>) dst(%dma_wait3A_100 : memref<128x16xf32, #tpu.memory_space<hbm>>)
    return
  }
}

module attributes {stable_mosaic.version = 14 : i64} {
  func.func @_proj_body(%arg0: i32, %arg1: memref<1000x16xbf16, #tpu.memory_space<vmem>>, %arg2: memref<2x1024x16xf32, #tpu.memory_space<vmem>>, %arg3: memref<2x1000x1024xf32, #tpu.memory_space<vmem>>) attributes {dimension_semantics = [#tpu.dimension_semantics<arbitrary>], iteration_bounds = array<i64: 10>, scalar_prefetch = 0 : i64, scratch_operands = 0 : i64, tpu.core_type = #tpu.core_type<tc>, window_params = [{pipeline_mode = #tpu.pipeline_mode<synchronous>, transform_indices = @transform_0, window_bounds = array<i64: 1000, 16>}, {transform_indices = @transform_1, window_bounds = array<i64: 2, 1024, 16>}, {transform_indices = @transform_2, window_bounds = array<i64: 2, 1000, 1024>}]} {
    %get3A = arith.constant 0 : index
    %get3A_0 = arith.constant 0 : index
    %get3A_1 = arith.constant 0 : index
    %get3A_2 = vector.load %arg2[%get3A, %get3A_0, %get3A_1] : memref<2x1024x16xf32, #tpu.memory_space<vmem>>, vector<1x1024x16xf32>
    %get3A_3 = vector.shape_cast %get3A_2 : vector<1x1024x16xf32> to vector<1024x16xf32>
    %convert_element_type3A = arith.truncf %get3A_3 : vector<1024x16xf32> to vector<1024x16xbf16>
    %get3A_4 = arith.constant 0 : index
    %get3A_5 = arith.constant 0 : index
    %get3A_6 = vector.load %arg1[%get3A_4, %get3A_5] : memref<1000x16xbf16, #tpu.memory_space<vmem>>, vector<1000x16xbf16>
    %dot_general3A = arith.constant dense<0.000000e+00> : vector<1000x1024xf32>
    %dot_general3A_7 = tpu.matmul %get3A_6, %convert_element_type3A, %dot_general3A {dimension_numbers = #tpu.dot_dimension_numbers<[1], [1], [0], [0], [0, 0, 1, 0], [], []>, transpose_lhs_hint = false} : vector<1000x16xbf16>, vector<1024x16xbf16>, vector<1000x1024xf32> -> vector<1000x1024xf32>
    %swap3A = arith.constant 0 : index
    %swap3A_8 = arith.constant 0 : index
    %swap3A_9 = arith.constant 0 : index
    %swap3A_10 = vector.load %arg3[%swap3A, %swap3A_8, %swap3A_9] : memref<2x1000x1024xf32, #tpu.memory_space<vmem>>, vector<1x1000x1024xf32>
    %swap3A_11 = vector.shape_cast %swap3A_10 : vector<1x1000x1024xf32> to vector<1000x1024xf32>
    %swap3A_12 = vector.shape_cast %dot_general3A_7 : vector<1000x1024xf32> to vector<1x1000x1024xf32>
    tpu.vector_store %arg3[%swap3A, %swap3A_8, %swap3A_9], %swap3A_12 {strides = array<i32>} : memref<2x1000x1024xf32, #tpu.memory_space<vmem>>, vector<1x1000x1024xf32>,
    %get3A_13 = arith.constant 1 : index
    %get3A_14 = arith.constant 0 : index
    %get3A_15 = arith.constant 0 : index
    %get3A_16 = vector.load %arg2[%get3A_13, %get3A_14, %get3A_15] : memref<2x1024x16xf32, #tpu.memory_space<vmem>>, vector<1x1024x16xf32>
    %get3A_17 = vector.shape_cast %get3A_16 : vector<1x1024x16xf32> to vector<1024x16xf32>
    %convert_element_type3A_18 = arith.truncf %get3A_17 : vector<1024x16xf32> to vector<1024x16xbf16>
    %get3A_19 = arith.constant 0 : index
    %get3A_20 = arith.constant 0 : index
    %get3A_21 = vector.load %arg1[%get3A_19, %get3A_20] : memref<1000x16xbf16, #tpu.memory_space<vmem>>, vector<1000x16xbf16>
    %dot_general3A_22 = arith.constant dense<0.000000e+00> : vector<1000x1024xf32>
    %dot_general3A_23 = tpu.matmul %get3A_21, %convert_element_type3A_18, %dot_general3A_22 {dimension_numbers = #tpu.dot_dimension_numbers<[1], [1], [0], [0], [0, 0, 1, 0], [], []>, transpose_lhs_hint = false} : vector<1000x16xbf16>, vector<1024x16xbf16>, vector<1000x1024xf32> -> vector<1000x1024xf32>
    %swap3A_24 = arith.constant 1 : index
    %swap3A_25 = arith.constant 0 : index
    %swap3A_26 = arith.constant 0 : index
    %swap3A_27 = vector.load %arg3[%swap3A_24, %swap3A_25, %swap3A_26] : memref<2x1000x1024xf32, #tpu.memory_space<vmem>>, vector<1x1000x1024xf32>
    %swap3A_28 = vector.shape_cast %swap3A_27 : vector<1x1000x1024xf32> to vector<1000x1024xf32>
    %swap3A_29 = vector.shape_cast %dot_general3A_23 : vector<1000x1024xf32> to vector<1x1000x1024xf32>
    tpu.vector_store %arg3[%swap3A_24, %swap3A_25, %swap3A_26], %swap3A_29 {strides = array<i32>} : memref<2x1000x1024xf32, #tpu.memory_space<vmem>>, vector<1x1000x1024xf32>,
    return
  }
  func.func @transform_0(%arg0: i32) -> (i32, i32) {
    %c0_i32 = arith.constant 0 : i32
    %c0_i32_0 = arith.constant 0 : i32
    %c0_i32_1 = arith.constant 0 : i32
    return %c0_i32, %c0_i32_0 : i32, i32
  }
  func.func @transform_1(%arg0: i32) -> (i32, i32, i32) {
    %c0_i32 = arith.constant 0 : i32
    %c0_i32_0 = arith.constant 0 : i32
    %c0_i32_1 = arith.constant 0 : i32
    return %arg0, %c0_i32, %c0_i32_0 : i32, i32, i32
  }
  func.func @transform_2(%arg0: i32) -> (i32, i32, i32) {
    %c0_i32 = arith.constant 0 : i32
    %c0_i32_0 = arith.constant 0 : i32
    %c0_i32_1 = arith.constant 0 : i32
    return %arg0, %c0_i32, %c0_i32_0 : i32, i32, i32
  }
}

</mosaic_0001>

<sc_bundles>
// kernel: kernel.4.cloned.1.call-start
scs
__scs_entry_jumppad:
0x0: {  	(pc) =	sbr.rel $0x88, $3  }
0x1: {  	(tag) =	ssettag $0x0;
	lr =	simm.s32 $0x1  }
0x2: {  	[smem:$0x3F9D] =	sst lr;
	_ =	strace $0xD0000000  }
0x3: {  	_ = 	snop  }
0x4: {  	_ = 	snop  }
0x5: {  	_ = 	snop  }
0x6: {  	_ = 	snop  }
0x7: {  	_ = 	snop  }
__scs_overlays_trampoline_lowered:
0x8: {  	[smem:$0x3FAC] =	sst s0  }
0x9: {  	[smem:$0x3FAD] =	sst s1  }
0xa: {  	[smem:$0x3FAE] =	sst s2  }
0xb: {  	[smem:$0x3FAF] =	sst s3  }
0xc: {  	[smem:$0x3FB0] =	sst s4  }
0xd: {  	[smem:$0x3FB1] =	sst s5  }
0xe: {  	[smem:$0x3FB2] =	sst s6  }
0xf: {  	[smem:$0x3FB3] =	sst s7  }
0x10: {  	[smem:$0x3FB4] =	sst s8  }
0x11: {  	[smem:$0x3FB5] =	sst s9;
	s0 =	simm.s32 @!p0 $0x0  }
0x12: {  	s1 =	sld [smem:$0x3F9B];
	s0 =	simm.s32 @p0 $0x1  }
0x13: {  	[smem:$0x3FB6] =	sst s0;
	s0 =	simm.s32 @!p1 $0x0  }
0x14: {  	s2 =	sld [smem:$0x3F9A];
	s0 =	simm.s32 @p1 $0x1  }
0x15: {  	[smem:$0x3FB7] =	sst s0;
	s0 =	simm.s32 @!p2 $0x0  }
0x16: {  	s3 =	sld [smem:$0x3FDB];
	s0 =	simm.s32 @p2 $0x1  }
0x17: {  	s4 =	simm.s32 $0x1BF5;
	[smem:$0x3FB9] =	sst s0  }
0x18: {  	s0 =	sld [smem:$0x3F9C];
	_ =	swait.ge [sflag:s4], $0x0  }
0x19: {  	s7 =	sld [smem:$0x3F9D]  }
0x1a: {  	s8 =	sadd.s32 $0xFFFFE003, lr  }
0x1b: {  	s9 =	sadd.s32 $0xFFFFFEF7, lr;
	s5 =	simm.s32 $0xFFFFFFFF;
	p2 =	slt.u32 s8, $0xFFFFF086  }
0x1c: {  	p1 =	slt.u32 s9, $0xF7A;
	s5 =	simm.s32 @!p2 $0x0  }
0x1d: {  	s5 =	simm.s32 @p1 $0x1;
	p0 =	seq.s32 s7, s2  }
0x1e: {  	s7 =	smul.u32 @!p0 $0xF7A, s2;
	p2 =	seq.s32 @!p0 s5, $0x0  }
0x1f: {  	s9 =	smul.u32 $0xF7A, s1;
	s8 =	simm.s32 @!p0 $0x1BF5;
	p2 =	por !p2, p0  }
0x20: {  	[sflag:s8] =	ssyncset.s32 @!p0 $0xFFFFF086;
	s6 =	sadd.s32 @!p0 s3, s7;
	s7 =	simm.s32 @!p0 $0x108  }
0x21: {  	s3 =	sadd.s32 s3, s9;
	s6 =	sadd.s32 @!p0 $0x88, s6;
	s7 =	simm.s32 @p2 $0x1082  }
0x22: {  	[simem:s7], [sflag:s8] =	dma.local @!p0 [hbm:s6], $0xF7A  }
0x23: {  	s9 =	sor.u32 $0xD0000000, s2;
	s6 =	simm.s32 $0x108;
	_ =	swait.ge @!p0 [sflag:s8], $0x0  }
0x24: {  	s3 =	sadd.s32 $0x88, s3;
	s6 =	simm.s32 @!p1 $0x1082;
	[sflag:s4] =	ssyncset.s32 $0xFFFFF086  }
0x25: {  	[simem:s6], [sflag:s4] =	dma.local [hbm:s3], $0xF7A  }
0x26: {  	[smem:$0x3F9D] =	sst s1;
	(tag) =	ssettag s2;
	_ =	strace s9  }
0x27: {  	s1 =	sld [smem:$0x3FAD]  }
0x28: {  	s2 =	sld [smem:$0x3FAE]  }
0x29: {  	s4 =	sld [smem:$0x3FB0]  }
0x2a: {  	p0 =	seq.s32 s5, $0x0;
	s5 =	sld [smem:$0x3FB1]  }
0x2b: {  	s6 =	sld [smem:$0x3FB2]  }
0x2c: {  	s7 =	sld [smem:$0x3FB3]  }
0x2d: {  	s3 =	simm.s32 $0x108;
	s8 =	sld [smem:$0x3FB4]  }
0x2e: {  	s3 =	simm.s32 @!p0 $0x1082;
	s9 =	sld [smem:$0x3FB5]  }
0x2f: {  	lr =	sadd.s32 s0, s3;
	s0 =	sld [smem:$0x3FAC]  }
0x30: {  	s3 =	sld [smem:$0x3FAF]  }
0x31: {  	[smem:$0x3FB8] =	sst s10  }
0x32: {  	s10 =	sld [smem:$0x3FB6];
	_ =	sdelay $0x3  }
0x33: {  	p0 =	seq.s32 s10, $0x1;
	s10 =	sld [smem:$0x3FB8];
	_ =	sdelay $0x3  }
0x34: {  	[smem:$0x3FB8] =	sst s10  }
0x35: {  	s10 =	sld [smem:$0x3FB7];
	_ =	sdelay $0x3  }
0x36: {  	p1 =	seq.s32 s10, $0x1;
	s10 =	sld [smem:$0x3FB8];
	_ =	sdelay $0x3  }
0x37: {  	[smem:$0x3FB8] =	sst s10  }
0x38: {  	s10 =	sld [smem:$0x3FB9]  }
0x39: {  	_ = 	snop;
	(pc) =	sbr.ind lr, $3  }
0x3a: {  	_ = 	snop  }
0x3b: {  	_ = 	snop  }
0x3c: {  	p2 =	seq.s32 s10, $0x1;
	s10 =	sld [smem:$0x3FB8]  }
0x3d: {  	_ =	shalt  }
0x3e: {  	_ =	shalt  }
0x3f: {  	_ =	shalt  }
0x40: {  	_ =	shalt  }
0x41: {  	_ =	shalt  }
0x42: {  	_ =	shalt  }
0x43: {  	_ =	shalt  }
0x44: {  	_ =	shalt  }
0x45: {  	_ =	shalt  }
0x46: {  	_ =	shalt  }
0x47: {  	_ =	shalt  }
0x48: {  	_ =	shalt  }
0x49: {  	_ =	shalt  }
0x4a: {  	_ =	shalt  }
0x4b: {  	_ =	shalt  }
0x4c: {  	_ =	shalt  }
0x4d: {  	_ =	shalt  }
0x4e: {  	_ =	shalt  }
0x4f: {  	_ =	shalt  }
0x50: {  	_ =	shalt  }
0x51: {  	_ =	shalt  }
0x52: {  	_ =	shalt  }
0x53: {  	_ =	shalt  }
0x54: {  	_ =	shalt  }
0x55: {  	_ =	shalt  }
0x56: {  	_ =	shalt  }
0x57: {  	_ =	shalt  }
0x58: {  	_ =	shalt  }
0x59: {  	_ =	shalt  }
0x5a: {  	_ =	shalt  }
0x5b: {  	_ =	shalt  }
0x5c: {  	_ =	shalt  }
0x5d: {  	_ =	shalt  }
0x5e: {  	_ =	shalt  }
0x5f: {  	_ =	shalt  }
0x60: {  	_ =	shalt  }
0x61: {  	_ =	shalt  }
0x62: {  	_ =	shalt  }
0x63: {  	_ =	shalt  }
0x64: {  	_ =	shalt  }
0x65: {  	_ =	shalt  }
0x66: {  	_ =	shalt  }
0x67: {  	_ =	shalt  }
0x68: {  	_ =	shalt  }
0x69: {  	_ =	shalt  }
0x6a: {  	_ =	shalt  }
0x6b: {  	_ =	shalt  }
0x6c: {  	_ =	shalt  }
0x6d: {  	_ =	shalt  }
0x6e: {  	_ =	shalt  }
0x6f: {  	_ =	shalt  }
0x70: {  	_ =	shalt  }
0x71: {  	_ =	shalt  }
0x72: {  	_ =	shalt  }
0x73: {  	_ =	shalt  }
0x74: {  	_ =	shalt  }
0x75: {  	_ =	shalt  }
0x76: {  	_ =	shalt  }
0x77: {  	_ =	shalt  }
0x78: {  	_ =	shalt  }
0x79: {  	_ =	shalt  }
0x7a: {  	_ =	shalt  }
0x7b: {  	_ =	shalt  }
0x7c: {  	_ =	shalt  }
0x7d: {  	_ =	shalt  }
0x7e: {  	_ =	shalt  }
0x7f: {  	_ =	shalt  }
0x80: {  	_ =	shalt  }
0x81: {  	_ =	shalt  }
0x82: {  	_ =	shalt  }
0x83: {  	_ =	shalt  }
0x84: {  	_ =	shalt  }
0x85: {  	_ =	shalt  }
0x86: {  	_ =	shalt  }
0x87: {  	_ =	shalt  }
.Lfunc_end0:
.L_simem_size_0:
called_computation_lowered:
.L_overlay_start_0:
0x88: {  	s2 =	sld [smem:$0x3FD9]  }
0x89: {  	s3 =	sld [smem:$0x3FFE];
	_ =	sdelay $0x1  }
0x8a: {  	s1 =	srdreg.scid  }
0x8b: {  	s0 =	sand.u32 $0x1, s1  }
0x8c: {  	s17 =	sshll.u32 s0, $0xA;
	s2 =	sadd.s32 s3, s2  }
0x8d: {  	s2 =	sadd.s32 s2, s17  }
0x8e: {  	[smem:$0x3FC4] =	sst s2  }
0x8f: {  	_ = 	snop  }
0x90: {  	s2 =	sld [smem:$0x3FD0];
	(tm) =	ssettm $0x1  }
0x91: {  	s18 =	sld [smem:$0x3FFB];
	_ =	sdelay $0x3  }
0x92: {  	_ =	strace s18  }
0x93: {  	s3 =	sld [smem:$0x3FFC];
	_ =	sdelay $0x3  }
0x94: {  	_ =	strace s3  }
0x95: {  	s3 =	sld [smem:$0x3FFD];
	_ =	sdelay $0x3  }
0x96: {  	_ =	strace s3  }
0x97: {  	_ =	strace $0x8FFFFFFF  }
0x98: {  	s19 =	sld [smem:$0x3FDB];
	_ =	sdelay $0x1  }
0x99: {  	s4 =	simm.s32 $_scs_section_size  }
0x9a: {  	s5 =	simm.s32 $_size__tile_overlayer_lowered;
	s6 =	simm.s32 $_tile_overlayer_lowered  }
0x9b: {  	s22 =	simm.s32 $0x1BFF;
	s21 =	sshll.u32 s6, $0x1;
	s3 =	sadd.s32 s4, s19  }
0x9c: {  	s7 =	simm.s32 $0x0;
	s20 =	sshll.u32 s5, $0x1;
	s5 =	sadd.s32 s21, s3  }
0x9d: {  	[timem:s7], [sflag:s22] =	dma.local [hbm:s5], s20  }
0x9e: {  	_ =	swait.ge [sflag:s22], s20  }
0x9f: {  	s4 =	ssub.s32 $0x0, s20;
	[sflag:s22] =	ssyncset.done $0x0  }
0xa0: {  	[sflag:s22] =	ssyncadd.s32 s4;
	_ =	sdelay $0x1  }
0xa1: {  	s23 =	simm.s32 $0x1B8B  }
0xa2: {  	_ =	swait.ge [sflag:s23], $0x1  }
0xa3: {  	[sflag:s23] =	ssyncset.done $0x0  }
0xa4: {  	s25 =	simm.s32 $0x1B8E;
	s24 =	sld [smem:$0x3FFE];
	[sflag:s23] =	ssyncadd.s32 $0xFFFFFFFF  }
0xa5: {  	s26 =	simm.s32 $execute0_lowered;
	[smem:$0x3FD2] =	sst s25  }
0xa6: {  	s5 =	sshll.u32 s26, $0x1;
	_ =	strace $0x80000046;
	[dreg:$0x1] =	wrdreg $0xFFFFFFFF  }
0xa7: {  	s28 =	simm.s32 $_size_execute0_lowered;
	s3 =	sadd.s32 s3, s5;
	[dreg:$0x0] =	wrdreg $0x0  }
0xa8: {  	s5 =	sshll.u32 s28, $0x1;
	[dreg:$0x2] =	wrdreg s3  }
0xa9: {  	[dreg:$0x3] =	wrdreg s5  }
0xaa: {  	[dreg:$0x4] =	wrdreg $0xC0  }
0xab: {  	_ =	task [dreg:s7], $0x5FFFF  }
0xac: {  	[dreg:$0x1] =	wrdreg $0xFFFFFFFF  }
0xad: {  	[dreg:$0x0] =	wrdreg $0x60  }
0xae: {  	[dreg:$0x2] =	wrdreg s24  }
0xaf: {  	[dreg:$0x3] =	wrdreg s2  }
0xb0: {  	[dreg:$0x4] =	wrdreg $0x9  }
0xb1: {  	_ =	task.clear_ibuf [dreg:s7], $0x5FFFF;
	_ =	strace $0x90000046  }
0xb2: {  	s29 =	simm.s32 $0x9;
	_ =	strace $0x80000048  }
0xb3: {  	_ =	swait.ge [sflag:s29], $0x1  }
0xb4: {  	[sflag:s29] =	ssyncadd.s32 $0xFFFFFFFF  }
0xb5: {  	_ =	strace $0x90000048  }
0xb6: {  	_ =	sfence  }
0xb7: {  	s30 =	sld [smem:$0x0];
	_ =	sdelay $0x2  }
0xb8: {  	s31 =	sshll.u32 s1, $0xD;
	s1 =	sshrl.u32 s1, $0x2  }
0xb9: {  	s3 =	sand.u32 $0x4000, s31;
	s1 =	sadd.s32 s1, s30  }
0xba: {  	s0 =	sor.u32 s3, s0;
	s1 =	sshll.u32 s1, $0x11  }
0xbb: {  	s0 =	sor.u32 s1, s0  }
0xbc: {  	s0 =	sadd.s32 $0x8F2B, s0  }
0xbd: {  	[sflag:s0] =	ssyncadd.remote.s32 $0x1  }
0xbe: {  	_ =	sfence.sel $0xFFFF  }
0xbf: {  	[dreg:$0x0] =	wrdreg $0xFFFFFFFF;
	(pc) =	sbr.abs _section_cstart, $3  }
0xc0: {  	[dreg:$0x1] =	wrdreg $0xFFFFFFFF  }
0xc1: {  	_ =	task.clear_ibuf [dreg:s7], $0x2FFFF;
	_ =	strace $0x9FFFFFFF  }
0xc2: {  	(tm) =	ssettm $0x7FFFFFFF  }
0xc3: {  	_ =	shalt  }
tec
execute0_lowered:
.L_overlay_start_1:
0x0: {  	(tag) =	ssettag $0x1  }
0x1: {  	s1 =	srdreg.scid;
	s0 =	stileid.u32  }
0x2: {  	s20 =	sand.u32 $0x1, s1;
	s30 =	sshll.u32 s0, $0x1  }
0x3: {  	s12 =	sor.u32 s20, s30  }
0x4: {  	s5 =	rddreg [dreg:$0x0];
	s3 =	smul.u32 $0x50, s12  }
0x5: {  	s13 =	rddreg [dreg:$0x1];
	s2 =	simm.s32 $0x0  }
0x6: {  	s4 =	simm.s32 $0x5;
	[smem:$0x7FF] =	sst s2;
	s3 =	sadd.s32 s3, s5  }
0x7: {  	s1 =	rddreg [dreg:$0x2];
	_ =	strace $0x80000047;
	s3 =	sadd.s32 $0x400, s3  }
0x8: {  	[tilespmem:s2], [sflag:$0x5] =	stream.linear.gather [hbm4b:s3+s2], $0x280, $0x38;
	[tilespmem:$0x1280] =	vst v63  }
0x9: {  	_ =	swait.ge [sflag:s4], $0x280  }
0xa: {  	s6 =	simm.s32 $0x80;
	s7 =	simm.s32 $0x280;
	[sflag:s4] =	ssyncset.done $0x0  }
0xb: {  	s8 =	simm.s32 $0x1;
	s5 =	sadd.s32 $0xE00, s5;
	[sflag:s4] =	ssyncadd.s32 $0xFFFFFD80  }
0xc: {  	[tilespmem:s7], [sflag:$0x1] =	stream.indirect.gather [hbm4b:s5+s6], $0x10, s2, s6, $0xb8;
	[tilespmem:$0x1280] =	vst v63  }
0xd: {  	_ =	swait.ge [sflag:s8], $0x800  }
0xe: {  	[sflag:s8] =	ssyncset.done $0x0  }
0xf: {  	s9 =	simm.s32 $0xA80;
	s10 =	smul.u32 $0x500, s12;
	[sflag:s8] =	ssyncadd.s32 $0xFFFFF800  }
0x10: {  	[tilespmem:s9], [sflag:$0x2] =	stream.indirect.gather [hbm4b:s5+s6], $0x10, s6, s6, $0xb8;
	[tilespmem:$0x1280] =	vst v63  }
0x11: {  	s11 =	simm.s32 $0x2;
	s10 =	sadd.s32 s13, s10  }
0x12: {  	[hbm4b:s10+s2] =	stream.linear.scatter [tilespmem:s7], [sflag:$0x3], $0x800, $0x38;
	[tilespmem:$0x1280] =	vst v63  }
0x13: {  	_ =	swait.ge [sflag:s11], $0x800  }
0x14: {  	[sflag:s11] =	ssyncset.done $0x0  }
0x15: {  	s14 =	smul.u32 $0x2800, s12;
	s12 =	simm.s32 $0x3;
	[sflag:s11] =	ssyncadd.s32 $0xFFFFF800  }
0x16: {  	_ =	swait.ge [sflag:s12], $0x800  }
0x17: {  	s14 =	sshrl.u32 s14, $0x3;
	[sflag:s12] =	ssyncset.done $0x0  }
0x18: {  	s21 =	sadd.s32 s13, s14;
	s13 =	simm.s32 $0x100;
	[sflag:s12] =	ssyncadd.s32 $0xFFFFF800  }
0x19: {  	[tilespmem:s7], [sflag:$0x1] =	stream.indirect.gather [hbm4b:s5+s6], $0x10, s13, s6, $0xb8;
	[tilespmem:$0x1280] =	vst v63  }
0x1a: {  	s14 =	sadd.s32 $0x100, s21  }
0x1b: {  	[hbm4b:s14+s2] =	stream.linear.scatter [tilespmem:s9], [sflag:$0x4], $0x800, $0x38;
	[tilespmem:$0x1280] =	vst v63  }
0x1c: {  	_ =	swait.ge [sflag:s8], $0x800  }
0x1d: {  	[sflag:s8] =	ssyncset.done $0x0  }
0x1e: {  	s15 =	simm.s32 $0x4;
	[sflag:s8] =	ssyncadd.s32 $0xFFFFF800  }
0x1f: {  	_ =	swait.ge [sflag:s15], $0x800  }
0x20: {  	[sflag:s15] =	ssyncset.done $0x0  }
0x21: {  	s16 =	simm.s32 $0x180;
	[sflag:s15] =	ssyncadd.s32 $0xFFFFF800  }
0x22: {  	[tilespmem:s9], [sflag:$0x2] =	stream.indirect.gather [hbm4b:s5+s6], $0x10, s16, s6, $0xb8;
	[tilespmem:$0x1280] =	vst v63  }
0x23: {  	s17 =	sadd.s32 $0x200, s21  }
0x24: {  	[hbm4b:s17+s2] =	stream.linear.scatter [tilespmem:s7], [sflag:$0x3], $0x800, $0x38;
	[tilespmem:$0x1280] =	vst v63  }
0x25: {  	_ =	swait.ge [sflag:s11], $0x800  }
0x26: {  	[sflag:s11] =	ssyncset.done $0x0  }
0x27: {  	[sflag:s11] =	ssyncadd.s32 $0xFFFFF800  }
0x28: {  	_ =	swait.ge [sflag:s12], $0x800  }
0x29: {  	[sflag:s12] =	ssyncset.done $0x0  }
0x2a: {  	s18 =	simm.s32 $0x200;
	s22 =	ssub.s32 $0x2, s20;
	[sflag:s12] =	ssyncadd.s32 $0xFFFFF800  }
0x2b: {  	[tilespmem:s7], [sflag:$0x1] =	stream.indirect.gather [hbm4b:s5+s6], $0x10, s18, s6, $0xb8;
	[tilespmem:$0x1280] =	vst v63  }
0x2c: {  	s31 =	sshrl.u32 s22, $0x1;
	s19 =	sadd.s32 $0x300, s21  }
0x2d: {  	[hbm4b:s19+s2] =	stream.linear.scatter [tilespmem:s9], [sflag:$0x4], $0x800, $0x38;
	[tilespmem:$0x1280] =	vst v63  }
0x2e: {  	s20 =	sadd.s32 $0x400, s21;
	s21 =	ssub.s32 s22, s31;
	_ =	swait.ge [sflag:s8], $0x800  }
0x2f: {  	s21 =	smax.u32 s21, $0x1;
	[sflag:s8] =	ssyncset.done $0x0  }
0x30: {  	p0 =	sne.s32 s21, $0x1;
	[sflag:s8] =	ssyncadd.s32 $0xFFFFF800  }
0x31: {  	[hbm4b:s20+s2] =	stream.linear.scatter [tilespmem:s7], [sflag:$0x3], $0x800, $0x38;
	[tilespmem:$0x1280] =	vst v63  }
.Ltmp0:
0x32: {  	_ =	swait.ge [sflag:s15], $0x800;
	(pc) =	sbr.rel @!p0 .LBB2_2-.Ltmp0, $4  }
0x33: {  	[sflag:s15] =	ssyncset.done $0x0  }
0x34: {  	[sflag:s15] =	ssyncadd.s32 $0xFFFFF800  }
0x35: {  	_ =	swait.ge [sflag:s12], $0x800  }
0x36: {  	s21 =	sadd.s32 $0xFFFFFFFF, s21;
	[sflag:s12] =	ssyncset.done $0x0  }
.LBB2_1:
0x37: {  	p0 =	sne.s32 s21, $0x1;
	s21 =	sadd.s32 $0xFFFFFFFF, s21;
	[sflag:s12] =	ssyncadd.s32 $0xFFFFF800  }
0x38: {  	[tilespmem:s2], [sflag:$0x5] =	stream.linear.gather [hbm4b:s3+s2], $0x280, $0x38;
	[tilespmem:$0x1280] =	vst v63  }
0x39: {  	_ =	swait.ge [sflag:s4], $0x280  }
0x3a: {  	[sflag:s4] =	ssyncset.done $0x0  }
0x3b: {  	[sflag:s4] =	ssyncadd.s32 $0xFFFFFD80  }
0x3c: {  	[tilespmem:s7], [sflag:$0x1] =	stream.indirect.gather [hbm4b:s5+s6], $0x10, s2, s6, $0xb8;
	[tilespmem:$0x1280] =	vst v63  }
0x3d: {  	_ =	swait.ge [sflag:s8], $0x800  }
0x3e: {  	[sflag:s8] =	ssyncset.done $0x0  }
0x3f: {  	[sflag:s8] =	ssyncadd.s32 $0xFFFFF800  }
0x40: {  	[tilespmem:s9], [sflag:$0x2] =	stream.indirect.gather [hbm4b:s5+s6], $0x10, s6, s6, $0xb8;
	[tilespmem:$0x1280] =	vst v63  }
0x41: {  	_ = 	snop  }
0x42: {  	[hbm4b:s10+s2] =	stream.linear.scatter [tilespmem:s7], [sflag:$0x3], $0x800, $0x38;
	[tilespmem:$0x1280] =	vst v63  }
0x43: {  	_ =	swait.ge [sflag:s11], $0x800  }
0x44: {  	[sflag:s11] =	ssyncset.done $0x0  }
0x45: {  	[sflag:s11] =	ssyncadd.s32 $0xFFFFF800  }
0x46: {  	_ =	swait.ge [sflag:s12], $0x800  }
0x47: {  	[sflag:s12] =	ssyncset.done $0x0  }
0x48: {  	[sflag:s12] =	ssyncadd.s32 $0xFFFFF800  }
0x49: {  	[tilespmem:s7], [sflag:$0x1] =	stream.indirect.gather [hbm4b:s5+s6], $0x10, s13, s6, $0xb8;
	[tilespmem:$0x1280] =	vst v63  }
0x4a: {  	_ = 	snop  }
0x4b: {  	[hbm4b:s14+s2] =	stream.linear.scatter [tilespmem:s9], [sflag:$0x4], $0x800, $0x38;
	[tilespmem:$0x1280] =	vst v63  }
0x4c: {  	_ =	swait.ge [sflag:s8], $0x800  }
0x4d: {  	[sflag:s8] =	ssyncset.done $0x0  }
0x4e: {  	[sflag:s8] =	ssyncadd.s32 $0xFFFFF800  }
0x4f: {  	_ =	swait.ge [sflag:s15], $0x800  }
0x50: {  	[sflag:s15] =	ssyncset.done $0x0  }
0x51: {  	[sflag:s15] =	ssyncadd.s32 $0xFFFFF800  }
0x52: {  	[tilespmem:s9], [sflag:$0x2] =	stream.indirect.gather [hbm4b:s5+s6], $0x10, s16, s6, $0xb8;
	[tilespmem:$0x1280] =	vst v63  }
0x53: {  	_ = 	snop  }
0x54: {  	[hbm4b:s17+s2] =	stream.linear.scatter [tilespmem:s7], [sflag:$0x3], $0x800, $0x38;
	[tilespmem:$0x1280] =	vst v63  }
0x55: {  	_ =	swait.ge [sflag:s11], $0x800  }
0x56: {  	[sflag:s11] =	ssyncset.done $0x0  }
0x57: {  	[sflag:s11] =	ssyncadd.s32 $0xFFFFF800  }
0x58: {  	_ =	swait.ge [sflag:s12], $0x800  }
0x59: {  	[sflag:s12] =	ssyncset.done $0x0  }
0x5a: {  	[sflag:s12] =	ssyncadd.s32 $0xFFFFF800  }
0x5b: {  	[tilespmem:s7], [sflag:$0x1] =	stream.indirect.gather [hbm4b:s5+s6], $0x10, s18, s6, $0xb8;
	[tilespmem:$0x1280] =	vst v63  }
0x5c: {  	_ = 	snop  }
0x5d: {  	[hbm4b:s19+s2] =	stream.linear.scatter [tilespmem:s9], [sflag:$0x4], $0x800, $0x38;
	[tilespmem:$0x1280] =	vst v63  }
0x5e: {  	_ =	swait.ge [sflag:s8], $0x800  }
0x5f: {  	[sflag:s8] =	ssyncset.done $0x0  }
0x60: {  	[sflag:s8] =	ssyncadd.s32 $0xFFFFF800  }
0x61: {  	[hbm4b:s20+s2] =	stream.linear.scatter [tilespmem:s7], [sflag:$0x3], $0x800, $0x38;
	[tilespmem:$0x1280] =	vst v63  }
.Ltmp1:
0x62: {  	_ =	swait.ge [sflag:s15], $0x800;
	(pc) =	sbr.rel @p0 .LBB2_1-.Ltmp1, $4  }
0x63: {  	[sflag:s15] =	ssyncset.done $0x0  }
0x64: {  	[sflag:s15] =	ssyncadd.s32 $0xFFFFF800  }
0x65: {  	_ =	swait.ge [sflag:s12], $0x800  }
0x66: {  	[sflag:s12] =	ssyncset.done $0x0  }
.LBB2_2:
0x67: {  	[sflag:s12] =	ssyncadd.s32 $0xFFFFF800  }
0x68: {  	_ =	sfence.sel $0x180000  }
0x69: {  	[bflag:$0x0] =	sbarrier.arrive $0xFFFF  }
0x6a: {  	p0 =	sne.s32 s0, $0x0;
	_ =	strace $0x90000047  }
0x6b: {  	s0 =	sadd.s32 @!p0 $0x100000, s1;
	[bflag:$0x2] =	sbarrier.arrive $0xFFFF  }
0x6c: {  	[sflag:s0] =	ssyncadd.tile.s32 @!p0 $0x1;
	_ =	shalt  }
.Lfunc_end2:
_tile_overlayer_lowered:
.L_overlay_start_2:
0x6d: {  	(tag) =	ssettag $0x2  }
0x6e: {  	s0 =	rddreg [dreg:$0x0];
	s2 =	stileid.u32  }
0x6f: {  	s1 =	rddreg [dreg:$0x1];
	p0 =	sne.s32 s2, $0x0  }
0x70: {  	s3 =	rddreg [dreg:$0x2];
	[bflag:$0x3] =	sbarrier.arrive $0xFFFF;
	s2 =	simm.s32 @!p0 $0x1C05  }
0x71: {  	[timem:s3], [sflag:s2] =	dma.local @!p0 [hbm:s0], s1  }
0x72: {  	s0 =	simm.s32 @!p0 $0x5  }
0x73: {  	_ =	swait.ge @!p0 [sflag:s0], s1  }
0x74: {  	s1 =	ssub.s32 @!p0 $0x0, s1;
	[sflag:s0] =	ssyncset.done @!p0 $0x0  }
0x75: {  	[sflag:s0] =	ssyncadd.s32 @!p0 s1  }
0x76: {  	[bflag:$0x3] =	sbarrier.arrive $0xFFFF  }
0x77: {  	_ =	shalt  }

</sc_bundles>
